<compile_context>
chip_gen: v7x
topology: tpu7x:2x2x1
jax: 0.10.2.dev20260603
libtpu: 0.0.44.dev20260713+nightly
codegen_flags: <defaults>
</compile_context>

<pallas_src>
import functools

import jax
import jax.numpy as jnp
from jax import lax
from jax.experimental import pallas as pl
from jax.experimental.pallas import tpu as pltpu, tpu_sc as plsc

NUM_ACTIONS = 100000
D = 128
B = 16384
HALF = B // 2
NC, NS = 2, 16
NW = NC * NS
ROWS_PER_W = HALF // NW
CHUNK = 128
NCHUNK = ROWS_PER_W // CHUNK
ZBLK = 32

_mesh = plsc.VectorSubcoreMesh(core_axis_name="c", subcore_axis_name="s")


@functools.partial(
    pl.kernel,
    out_type=jax.ShapeDtypeStruct((B, D), jnp.float32),
    mesh=_mesh,
    scratch_types=[
        pltpu.VMEM((ROWS_PER_W,), jnp.int32),
        [pltpu.VMEM((CHUNK, D), jnp.float32)] * NCHUNK,
        pltpu.VMEM((ZBLK, D), jnp.float32),
        [pltpu.SemaphoreType.DMA] * NCHUNK,
        pltpu.SemaphoreType.DMA,
    ],
)
def _embed_gather(idx_hbm, table_hbm, out_hbm,
                  idxv, rowsb, zbuf, sems, semz):
    wid = lax.axis_index("s") * NC + lax.axis_index("c")
    base = wid * ROWS_PER_W

    iload = pltpu.async_copy(
        idx_hbm.at[pl.ds(HALF + base, ROWS_PER_W)], idxv, sems[0])

    z16 = jnp.zeros((16,), jnp.float32)

    def _zfill(i, carry):
        for k in range(D // 16):
            zbuf[i, pl.ds(k * 16, 16)] = z16
        return carry

    lax.fori_loop(0, ZBLK, _zfill, 0)
    zwrites = [
        pltpu.async_copy(zbuf, out_hbm.at[pl.ds(base + z * ZBLK, ZBLK)], semz)
        for z in range(ROWS_PER_W // ZBLK)
    ]

    iload.wait()
    gathers = []
    for j in range(NCHUNK):
        gathers.append(pltpu.async_copy(
            table_hbm.at[idxv.at[pl.ds(j * CHUNK, CHUNK)]], rowsb[j], sems[j]))

    rwrites = []
    for j in range(NCHUNK):
        gathers[j].wait()
        rwrites.append(pltpu.async_copy(
            rowsb[j], out_hbm.at[pl.ds(HALF + base + j * CHUNK, CHUNK)],
            sems[j]))
    for cp in zwrites:
        cp.wait()
    for cp in rwrites:
        cp.wait()


def kernel(input, action_embedding):
    idx_all = input.reshape(B)
    out = _embed_gather(idx_all, action_embedding)
    return out[None]

# --- scband reference (transcript-rebuilt; emitter-appended) ---
"""Pipeline reference for scband-embed-action-1906965480130 (READ-ONLY COPY).

The authoritative reference and input builder live on the scoring server;
editing this copy changes nothing except your own understanding.
"""

import jax, jax.numpy as jnp
import numpy as np

NUM_ACTIONS = 100000
LATENT_DIM = 128
BATCH = 16384


def setup_inputs(seed: int = 0) -> dict:
    key = jax.random.key(seed)
    k1, k2 = jax.random.split(key)
    inp = jax.random.randint(k1, (BATCH, 1), 0, NUM_ACTIONS, dtype=jnp.int64 if jax.config.jax_enable_x64 else jnp.int32).astype(jnp.int32)
    # learned parameter: action_embedding table [num_actions, latent_dim]
    action_embedding = jax.random.normal(k2, (NUM_ACTIONS, LATENT_DIM), dtype=jnp.float32)
    return {"input": inp, "action_embedding": action_embedding}


def reference(input, action_embedding):
    # eval-mode path: guidance_scale=7.5 > 1.0, force_mask=False, not training
    idx = input[:, 0].astype(jnp.int32)
    output = jnp.take(action_embedding, idx, axis=0)  # gather [B, d]
    B = output.shape[0]
    # B is even -> chunk into (uncond, cond); uncond is force-masked to zeros,
    # cond passes through unchanged (not training, so no bernoulli dropout)
    half = B // 2
    uncond_out = jnp.zeros_like(output[:half])
    out_cond = output[half:]
    output = jnp.concatenate((uncond_out, out_cond), axis=0)
    return output[None, ...]  # unsqueeze(0) -> [1, B, d]

if __name__ == "__main__":
    import jax
    _d = setup_inputs()
    print(jax.jit(kernel)(*tuple(_d.values())))

</pallas_src>

<mosaic_0001>
#map = affine_map<(d0, d1) -> (0)>
#map1 = affine_map<(d0, d1) -> (0, 0)>
module attributes {stable_mosaic.version = 14 : i64} {
  func.func @_embed_gather(%arg0: i32, %arg1: i32, %arg2: memref<16384xi32, #tpu.memory_space<hbm>>, %arg3: memref<100000x128xf32, #tpu.memory_space<hbm>>, %arg4: memref<16384x128xf32, #tpu.memory_space<hbm>>, %arg5: memref<256xi32, #tpu.memory_space<vmem>>, %arg6: memref<128x128xf32, #tpu.memory_space<vmem>>, %arg7: memref<128x128xf32, #tpu.memory_space<vmem>>, %arg8: memref<32x128xf32, #tpu.memory_space<vmem>>, %arg9: memref<!tpu.dma_semaphore, #tpu.memory_space<semaphore_mem>>, %arg10: memref<!tpu.dma_semaphore, #tpu.memory_space<semaphore_mem>>, %arg11: memref<!tpu.dma_semaphore, #tpu.memory_space<semaphore_mem>>) attributes {dimension_semantics = [#tpu.dimension_semantics<core_parallel>, #tpu.dimension_semantics<subcore_parallel>], iteration_bounds = array<i64: 2, 16>, scalar_prefetch = 0 : i64, scratch_operands = 7 : i64, tpu.core_type = #tpu.core_type<sc_vector_subcore>, window_params = [{transform_indices = #map}, {transform_indices = #map1}, {transform_indices = #map1}]} {
    %mul3A = arith.constant 2 : i32
    %mul3A_0 = arith.muli %arg1, %mul3A : i32
    %add3A = arith.addi %mul3A_0, %arg0 : i32
    %mul3A_1 = arith.constant 256 : i32
    %mul3A_2 = arith.muli %add3A, %mul3A_1 : i32
    %add3A_3 = arith.constant 8192 : i32
    %add3A_4 = arith.addi %add3A_3, %mul3A_2 : i32
    %dma_start3A = tpu.memref_slice %arg2[%add3A_4] : memref<16384xi32, #tpu.memory_space<hbm>> -> memref<256xi32, #tpu.memory_space<hbm>>
    %dma_start3A_5 = tpu.memref_slice %arg2[%add3A_4] : memref<16384xi32, #tpu.memory_space<hbm>> -> memref<256xi32, #tpu.memory_space<hbm>>
    tpu.enqueue_dma source(%dma_start3A_5 : memref<256xi32, #tpu.memory_space<hbm>>) target(%arg5 : memref<256xi32, #tpu.memory_space<vmem>>) target_semaphore(%arg9 : memref<!tpu.dma_semaphore, #tpu.memory_space<semaphore_mem>>)
    %broadcast_in_dim3A = arith.constant 0.000000e+00 : f32
    %broadcast_in_dim3A_6 = vector.broadcast %broadcast_in_dim3A : f32 to vector<16xf32>
    %scan3A = arith.constant 0 : i32
    %scan3A_7 = arith.constant 0 : i32
    %scan3A_8 = arith.constant 32 : i32
    %scan3A_9 = arith.addi %scan3A_7, %scan3A_8 : i32
    %scan3A_10 = arith.constant 1 : i32
    scf.for %scan3A_137 = %scan3A_7 to %scan3A_9 step %scan3A_10  : i32 {
      %swap3A = arith.index_cast %scan3A_137 : i32 to index
      %swap3A_138 = arith.constant 0 : index
      %swap3A_139 = tpu.vector_load %arg8[%swap3A, %swap3A_138] {strides = array<i32>} : memref<32x128xf32, #tpu.memory_space<vmem>>, vector<1x16xf32>,
      %swap3A_140 = vector.shape_cast %swap3A_139 : vector<1x16xf32> to vector<16xf32>
      %swap3A_141 = vector.shape_cast %broadcast_in_dim3A_6 : vector<16xf32> to vector<1x16xf32>
      tpu.vector_store %arg8[%swap3A, %swap3A_138], %swap3A_141 {strides = array<i32>} : memref<32x128xf32, #tpu.memory_space<vmem>>, vector<1x16xf32>,
      %swap3A_142 = arith.index_cast %scan3A_137 : i32 to index
      %swap3A_143 = arith.constant 16 : index
      %swap3A_144 = tpu.vector_load %arg8[%swap3A_142, %swap3A_143] {strides = array<i32>} : memref<32x128xf32, #tpu.memory_space<vmem>>, vector<1x16xf32>,
      %swap3A_145 = vector.shape_cast %swap3A_144 : vector<1x16xf32> to vector<16xf32>
      %swap3A_146 = vector.shape_cast %broadcast_in_dim3A_6 : vector<16xf32> to vector<1x16xf32>
      tpu.vector_store %arg8[%swap3A_142, %swap3A_143], %swap3A_146 {strides = array<i32>} : memref<32x128xf32, #tpu.memory_space<vmem>>, vector<1x16xf32>,
      %swap3A_147 = arith.index_cast %scan3A_137 : i32 to index
      %swap3A_148 = arith.constant 32 : index
      %swap3A_149 = tpu.vector_load %arg8[%swap3A_147, %swap3A_148] {strides = array<i32>} : memref<32x128xf32, #tpu.memory_space<vmem>>, vector<1x16xf32>,
      %swap3A_150 = vector.shape_cast %swap3A_149 : vector<1x16xf32> to vector<16xf32>
      %swap3A_151 = vector.shape_cast %broadcast_in_dim3A_6 : vector<16xf32> to vector<1x16xf32>
      tpu.vector_store %arg8[%swap3A_147, %swap3A_148], %swap3A_151 {strides = array<i32>} : memref<32x128xf32, #tpu.memory_space<vmem>>, vector<1x16xf32>,
      %swap3A_152 = arith.index_cast %scan3A_137 : i32 to index
      %swap3A_153 = arith.constant 48 : index
      %swap3A_154 = tpu.vector_load %arg8[%swap3A_152, %swap3A_153] {strides = array<i32>} : memref<32x128xf32, #tpu.memory_space<vmem>>, vector<1x16xf32>,
      %swap3A_155 = vector.shape_cast %swap3A_154 : vector<1x16xf32> to vector<16xf32>
      %swap3A_156 = vector.shape_cast %broadcast_in_dim3A_6 : vector<16xf32> to vector<1x16xf32>
      tpu.vector_store %arg8[%swap3A_152, %swap3A_153], %swap3A_156 {strides = array<i32>} : memref<32x128xf32, #tpu.memory_space<vmem>>, vector<1x16xf32>,
      %swap3A_157 = arith.index_cast %scan3A_137 : i32 to index
      %swap3A_158 = arith.constant 64 : index
      %swap3A_159 = tpu.vector_load %arg8[%swap3A_157, %swap3A_158] {strides = array<i32>} : memref<32x128xf32, #tpu.memory_space<vmem>>, vector<1x16xf32>,
      %swap3A_160 = vector.shape_cast %swap3A_159 : vector<1x16xf32> to vector<16xf32>
      %swap3A_161 = vector.shape_cast %broadcast_in_dim3A_6 : vector<16xf32> to vector<1x16xf32>
      tpu.vector_store %arg8[%swap3A_157, %swap3A_158], %swap3A_161 {strides = array<i32>} : memref<32x128xf32, #tpu.memory_space<vmem>>, vector<1x16xf32>,
      %swap3A_162 = arith.index_cast %scan3A_137 : i32 to index
      %swap3A_163 = arith.constant 80 : index
      %swap3A_164 = tpu.vector_load %arg8[%swap3A_162, %swap3A_163] {strides = array<i32>} : memref<32x128xf32, #tpu.memory_space<vmem>>, vector<1x16xf32>,
      %swap3A_165 = vector.shape_cast %swap3A_164 : vector<1x16xf32> to vector<16xf32>
      %swap3A_166 = vector.shape_cast %broadcast_in_dim3A_6 : vector<16xf32> to vector<1x16xf32>
      tpu.vector_store %arg8[%swap3A_162, %swap3A_163], %swap3A_166 {strides = array<i32>} : memref<32x128xf32, #tpu.memory_space<vmem>>, vector<1x16xf32>,
      %swap3A_167 = arith.index_cast %scan3A_137 : i32 to index
      %swap3A_168 = arith.constant 96 : index
      %swap3A_169 = tpu.vector_load %arg8[%swap3A_167, %swap3A_168] {strides = array<i32>} : memref<32x128xf32, #tpu.memory_space<vmem>>, vector<1x16xf32>,
      %swap3A_170 = vector.shape_cast %swap3A_169 : vector<1x16xf32> to vector<16xf32>
      %swap3A_171 = vector.shape_cast %broadcast_in_dim3A_6 : vector<16xf32> to vector<1x16xf32>
      tpu.vector_store %arg8[%swap3A_167, %swap3A_168], %swap3A_171 {strides = array<i32>} : memref<32x128xf32, #tpu.memory_space<vmem>>, vector<1x16xf32>,
      %swap3A_172 = arith.index_cast %scan3A_137 : i32 to index
      %swap3A_173 = arith.constant 112 : index
      %swap3A_174 = tpu.vector_load %arg8[%swap3A_172, %swap3A_173] {strides = array<i32>} : memref<32x128xf32, #tpu.memory_space<vmem>>, vector<1x16xf32>,
      %swap3A_175 = vector.shape_cast %swap3A_174 : vector<1x16xf32> to vector<16xf32>
      %swap3A_176 = vector.shape_cast %broadcast_in_dim3A_6 : vector<16xf32> to vector<1x16xf32>
      tpu.vector_store %arg8[%swap3A_172, %swap3A_173], %swap3A_176 {strides = array<i32>} : memref<32x128xf32, #tpu.memory_space<vmem>>, vector<1x16xf32>,
    }
    %scan3A_11 = arith.constant 32 : i32
    %add3A_12 = arith.constant 0 : i32
    %add3A_13 = arith.addi %mul3A_2, %add3A_12 : i32
    %dma_start3A_14 = arith.constant 0 : i32
    %dma_start3A_15 = tpu.memref_slice %arg4[%add3A_13, %dma_start3A_14] : memref<16384x128xf32, #tpu.memory_space<hbm>> -> memref<32x128xf32, #tpu.memory_space<hbm>>
    %dma_start3A_16 = arith.constant 0 : i32
    %dma_start3A_17 = tpu.memref_slice %arg4[%add3A_13, %dma_start3A_16] : memref<16384x128xf32, #tpu.memory_space<hbm>> -> memref<32x128xf32, #tpu.memory_space<hbm>>
    tpu.enqueue_dma source(%arg8 : memref<32x128xf32, #tpu.memory_space<vmem>>) target(%dma_start3A_17 : memref<32x128xf32, #tpu.memory_space<hbm>>) target_semaphore(%arg11 : memref<!tpu.dma_semaphore, #tpu.memory_space<semaphore_mem>>)
    %add3A_18 = arith.constant 32 : i32
    %add3A_19 = arith.addi %mul3A_2, %add3A_18 : i32
    %dma_start3A_20 = arith.constant 0 : i32
    %dma_start3A_21 = tpu.memref_slice %arg4[%add3A_19, %dma_start3A_20] : memref<16384x128xf32, #tpu.memory_space<hbm>> -> memref<32x128xf32, #tpu.memory_space<hbm>>
    %dma_start3A_22 = arith.constant 0 : i32
    %dma_start3A_23 = tpu.memref_slice %arg4[%add3A_19, %dma_start3A_22] : memref<16384x128xf32, #tpu.memory_space<hbm>> -> memref<32x128xf32, #tpu.memory_space<hbm>>
    tpu.enqueue_dma source(%arg8 : memref<32x128xf32, #tpu.memory_space<vmem>>) target(%dma_start3A_23 : memref<32x128xf32, #tpu.memory_space<hbm>>) target_semaphore(%arg11 : memref<!tpu.dma_semaphore, #tpu.memory_space<semaphore_mem>>)
    %add3A_24 = arith.constant 64 : i32
    %add3A_25 = arith.addi %mul3A_2, %add3A_24 : i32
    %dma_start3A_26 = arith.constant 0 : i32
    %dma_start3A_27 = tpu.memref_slice %arg4[%add3A_25, %dma_start3A_26] : memref<16384x128xf32, #tpu.memory_space<hbm>> -> memref<32x128xf32, #tpu.memory_space<hbm>>
    %dma_start3A_28 = arith.constant 0 : i32
    %dma_start3A_29 = tpu.memref_slice %arg4[%add3A_25, %dma_start3A_28] : memref<16384x128xf32, #tpu.memory_space<hbm>> -> memref<32x128xf32, #tpu.memory_space<hbm>>
    tpu.enqueue_dma source(%arg8 : memref<32x128xf32, #tpu.memory_space<vmem>>) target(%dma_start3A_29 : memref<32x128xf32, #tpu.memory_space<hbm>>) target_semaphore(%arg11 : memref<!tpu.dma_semaphore, #tpu.memory_space<semaphore_mem>>)
    %add3A_30 = arith.constant 96 : i32
    %add3A_31 = arith.addi %mul3A_2, %add3A_30 : i32
    %dma_start3A_32 = arith.constant 0 : i32
    %dma_start3A_33 = tpu.memref_slice %arg4[%add3A_31, %dma_start3A_32] : memref<16384x128xf32, #tpu.memory_space<hbm>> -> memref<32x128xf32, #tpu.memory_space<hbm>>
    %dma_start3A_34 = arith.constant 0 : i32
    %dma_start3A_35 = tpu.memref_slice %arg4[%add3A_31, %dma_start3A_34] : memref<16384x128xf32, #tpu.memory_space<hbm>> -> memref<32x128xf32, #tpu.memory_space<hbm>>
    tpu.enqueue_dma source(%arg8 : memref<32x128xf32, #tpu.memory_space<vmem>>) target(%dma_start3A_35 : memref<32x128xf32, #tpu.memory_space<hbm>>) target_semaphore(%arg11 : memref<!tpu.dma_semaphore, #tpu.memory_space<semaphore_mem>>)
    %add3A_36 = arith.constant 128 : i32
    %add3A_37 = arith.addi %mul3A_2, %add3A_36 : i32
    %dma_start3A_38 = arith.constant 0 : i32
    %dma_start3A_39 = tpu.memref_slice %arg4[%add3A_37, %dma_start3A_38] : memref<16384x128xf32, #tpu.memory_space<hbm>> -> memref<32x128xf32, #tpu.memory_space<hbm>>
    %dma_start3A_40 = arith.constant 0 : i32
    %dma_start3A_41 = tpu.memref_slice %arg4[%add3A_37, %dma_start3A_40] : memref<16384x128xf32, #tpu.memory_space<hbm>> -> memref<32x128xf32, #tpu.memory_space<hbm>>
    tpu.enqueue_dma source(%arg8 : memref<32x128xf32, #tpu.memory_space<vmem>>) target(%dma_start3A_41 : memref<32x128xf32, #tpu.memory_space<hbm>>) target_semaphore(%arg11 : memref<!tpu.dma_semaphore, #tpu.memory_space<semaphore_mem>>)
    %add3A_42 = arith.constant 160 : i32
    %add3A_43 = arith.addi %mul3A_2, %add3A_42 : i32
    %dma_start3A_44 = arith.constant 0 : i32
    %dma_start3A_45 = tpu.memref_slice %arg4[%add3A_43, %dma_start3A_44] : memref<16384x128xf32, #tpu.memory_space<hbm>> -> memref<32x128xf32, #tpu.memory_space<hbm>>
    %dma_start3A_46 = arith.constant 0 : i32
    %dma_start3A_47 = tpu.memref_slice %arg4[%add3A_43, %dma_start3A_46] : memref<16384x128xf32, #tpu.memory_space<hbm>> -> memref<32x128xf32, #tpu.memory_space<hbm>>
    tpu.enqueue_dma source(%arg8 : memref<32x128xf32, #tpu.memory_space<vmem>>) target(%dma_start3A_47 : memref<32x128xf32, #tpu.memory_space<hbm>>) target_semaphore(%arg11 : memref<!tpu.dma_semaphore, #tpu.memory_space<semaphore_mem>>)
    %add3A_48 = arith.constant 192 : i32
    %add3A_49 = arith.addi %mul3A_2, %add3A_48 : i32
    %dma_start3A_50 = arith.constant 0 : i32
    %dma_start3A_51 = tpu.memref_slice %arg4[%add3A_49, %dma_start3A_50] : memref<16384x128xf32, #tpu.memory_space<hbm>> -> memref<32x128xf32, #tpu.memory_space<hbm>>
    %dma_start3A_52 = arith.constant 0 : i32
    %dma_start3A_53 = tpu.memref_slice %arg4[%add3A_49, %dma_start3A_52] : memref<16384x128xf32, #tpu.memory_space<hbm>> -> memref<32x128xf32, #tpu.memory_space<hbm>>
    tpu.enqueue_dma source(%arg8 : memref<32x128xf32, #tpu.memory_space<vmem>>) target(%dma_start3A_53 : memref<32x128xf32, #tpu.memory_space<hbm>>) target_semaphore(%arg11 : memref<!tpu.dma_semaphore, #tpu.memory_space<semaphore_mem>>)
    %add3A_54 = arith.constant 224 : i32
    %add3A_55 = arith.addi %mul3A_2, %add3A_54 : i32
    %dma_start3A_56 = arith.constant 0 : i32
    %dma_start3A_57 = tpu.memref_slice %arg4[%add3A_55, %dma_start3A_56] : memref<16384x128xf32, #tpu.memory_space<hbm>> -> memref<32x128xf32, #tpu.memory_space<hbm>>
    %dma_start3A_58 = arith.constant 0 : i32
    %dma_start3A_59 = tpu.memref_slice %arg4[%add3A_55, %dma_start3A_58] : memref<16384x128xf32, #tpu.memory_space<hbm>> -> memref<32x128xf32, #tpu.memory_space<hbm>>
    tpu.enqueue_dma source(%arg8 : memref<32x128xf32, #tpu.memory_space<vmem>>) target(%dma_start3A_59 : memref<32x128xf32, #tpu.memory_space<hbm>>) target_semaphore(%arg11 : memref<!tpu.dma_semaphore, #tpu.memory_space<semaphore_mem>>)
    %dma_wait3A = tpu.memref_slice %arg2[%add3A_4] : memref<16384xi32, #tpu.memory_space<hbm>> -> memref<256xi32, #tpu.memory_space<hbm>>
    %dma_wait3A_60 = tpu.memref_slice %arg2[%add3A_4] : memref<16384xi32, #tpu.memory_space<hbm>> -> memref<256xi32, #tpu.memory_space<hbm>>
    tpu.wait_dma2 semaphore(%arg9 : memref<!tpu.dma_semaphore, #tpu.memory_space<semaphore_mem>>) src(%dma_wait3A_60 : memref<256xi32, #tpu.memory_space<hbm>>) dst(%arg5 : memref<256xi32, #tpu.memory_space<vmem>>)
    %dma_start3A_61 = arith.constant 0 : i32
    %dma_start3A_62 = tpu.memref_slice %arg5[%dma_start3A_61] : memref<256xi32, #tpu.memory_space<vmem>> -> memref<128xi32, #tpu.memory_space<vmem>>
    %dma_start3A_63 = arith.constant 0 : i32
    %dma_start3A_64 = arith.constant 0 : i32
    %dma_start3A_65 = tpu.memref_slice %arg3[%dma_start3A_63, %dma_start3A_64] : memref<100000x128xf32, #tpu.memory_space<hbm>> -> memref<100000x128xf32, #tpu.memory_space<hbm>>
    tpu.enqueue_indirect_dma source(%dma_start3A_65 : memref<100000x128xf32, #tpu.memory_space<hbm>>) target(%arg6 : memref<128x128xf32, #tpu.memory_space<vmem>>) offsets(%dma_start3A_62 : memref<128xi32, #tpu.memory_space<vmem>>) semaphore(%arg9 : memref<!tpu.dma_semaphore, #tpu.memory_space<semaphore_mem>>)
    %dma_start3A_66 = arith.constant 128 : i32
    %dma_start3A_67 = tpu.memref_slice %arg5[%dma_start3A_66] : memref<256xi32, #tpu.memory_space<vmem>> -> memref<128xi32, #tpu.memory_space<vmem>>
    %dma_start3A_68 = arith.constant 0 : i32
    %dma_start3A_69 = arith.constant 0 : i32
    %dma_start3A_70 = tpu.memref_slice %arg3[%dma_start3A_68, %dma_start3A_69] : memref<100000x128xf32, #tpu.memory_space<hbm>> -> memref<100000x128xf32, #tpu.memory_space<hbm>>
    tpu.enqueue_indirect_dma source(%dma_start3A_70 : memref<100000x128xf32, #tpu.memory_space<hbm>>) target(%arg7 : memref<128x128xf32, #tpu.memory_space<vmem>>) offsets(%dma_start3A_67 : memref<128xi32, #tpu.memory_space<vmem>>) semaphore(%arg10 : memref<!tpu.dma_semaphore, #tpu.memory_space<semaphore_mem>>)
    %dma_wait3A_71 = arith.constant 0 : i32
    %dma_wait3A_72 = tpu.memref_slice %arg5[%dma_wait3A_71] : memref<256xi32, #tpu.memory_space<vmem>> -> memref<128xi32, #tpu.memory_space<vmem>>
    %dma_wait3A_73 = arith.constant 0 : i32
    %dma_wait3A_74 = arith.constant 0 : i32
    %dma_wait3A_75 = tpu.memref_slice %arg3[%dma_wait3A_73, %dma_wait3A_74] : memref<100000x128xf32, #tpu.memory_space<hbm>> -> memref<100000x128xf32, #tpu.memory_space<hbm>>
    tpu.wait_indirect_dma semaphore(%arg9 : memref<!tpu.dma_semaphore, #tpu.memory_space<semaphore_mem>>) src(%dma_wait3A_75 : memref<100000x128xf32, #tpu.memory_space<hbm>>) dst(%arg6 : memref<128x128xf32, #tpu.memory_space<vmem>>)
    %add3A_76 = arith.constant 8192 : i32
    %add3A_77 = arith.addi %add3A_76, %mul3A_2 : i32
    %add3A_78 = arith.constant 0 : i32
    %add3A_79 = arith.addi %add3A_77, %add3A_78 : i32
    %dma_start3A_80 = arith.constant 0 : i32
    %dma_start3A_81 = tpu.memref_slice %arg4[%add3A_79, %dma_start3A_80] : memref<16384x128xf32, #tpu.memory_space<hbm>> -> memref<128x128xf32, #tpu.memory_space<hbm>>
    %dma_start3A_82 = arith.constant 0 : i32
    %dma_start3A_83 = tpu.memref_slice %arg4[%add3A_79, %dma_start3A_82] : memref<16384x128xf32, #tpu.memory_space<hbm>> -> memref<128x128xf32, #tpu.memory_space<hbm>>
    tpu.enqueue_dma source(%arg6 : memref<128x128xf32, #tpu.memory_space<vmem>>) target(%dma_start3A_83 : memref<128x128xf32, #tpu.memory_space<hbm>>) target_semaphore(%arg9 : memref<!tpu.dma_semaphore, #tpu.memory_space<semaphore_mem>>)
    %dma_wait3A_84 = arith.constant 128 : i32
    %dma_wait3A_85 = tpu.memref_slice %arg5[%dma_wait3A_84] : memref<256xi32, #tpu.memory_space<vmem>> -> memref<128xi32, #tpu.memory_space<vmem>>
    %dma_wait3A_86 = arith.constant 0 : i32
    %dma_wait3A_87 = arith.constant 0 : i32
    %dma_wait3A_88 = tpu.memref_slice %arg3[%dma_wait3A_86, %dma_wait3A_87] : memref<100000x128xf32, #tpu.memory_space<hbm>> -> memref<100000x128xf32, #tpu.memory_space<hbm>>
    tpu.wait_indirect_dma semaphore(%arg10 : memref<!tpu.dma_semaphore, #tpu.memory_space<semaphore_mem>>) src(%dma_wait3A_88 : memref<100000x128xf32, #tpu.memory_space<hbm>>) dst(%arg7 : memref<128x128xf32, #tpu.memory_space<vmem>>)
    %add3A_89 = arith.constant 8192 : i32
    %add3A_90 = arith.addi %add3A_89, %mul3A_2 : i32
    %add3A_91 = arith.constant 128 : i32
    %add3A_92 = arith.addi %add3A_90, %add3A_91 : i32
    %dma_start3A_93 = arith.constant 0 : i32
    %dma_start3A_94 = tpu.memref_slice %arg4[%add3A_92, %dma_start3A_93] : memref<16384x128xf32, #tpu.memory_space<hbm>> -> memref<128x128xf32, #tpu.memory_space<hbm>>
    %dma_start3A_95 = arith.constant 0 : i32
    %dma_start3A_96 = tpu.memref_slice %arg4[%add3A_92, %dma_start3A_95] : memref<16384x128xf32, #tpu.memory_space<hbm>> -> memref<128x128xf32, #tpu.memory_space<hbm>>
    tpu.enqueue_dma source(%arg7 : memref<128x128xf32, #tpu.memory_space<vmem>>) target(%dma_start3A_96 : memref<128x128xf32, #tpu.memory_space<hbm>>) target_semaphore(%arg10 : memref<!tpu.dma_semaphore, #tpu.memory_space<semaphore_mem>>)
    %dma_wait3A_97 = arith.constant 0 : i32
    %dma_wait3A_98 = tpu.memref_slice %arg4[%add3A_13, %dma_wait3A_97] : memref<16384x128xf32, #tpu.memory_space<hbm>> -> memref<32x128xf32, #tpu.memory_space<hbm>>
    %dma_wait3A_99 = arith.constant 0 : i32
    %dma_wait3A_100 = tpu.memref_slice %arg4[%add3A_13, %dma_wait3A_99] : memref<16384x128xf32, #tpu.memory_space<hbm>> -> memref<32x128xf32, #tpu.memory_space<hbm>>
    tpu.wait_dma2 semaphore(%arg11 : memref<!tpu.dma_semaphore, #tpu.memory_space<semaphore_mem>>) src(%arg8 : memref<32x128xf32, #tpu.memory_space<vmem>>) dst(%dma_wait3A_100 : memref<32x128xf32, #tpu.memory_space<hbm>>)
    %dma_wait3A_101 = arith.constant 0 : i32
    %dma_wait3A_102 = tpu.memref_slice %arg4[%add3A_19, %dma_wait3A_101] : memref<16384x128xf32, #tpu.memory_space<hbm>> -> memref<32x128xf32, #tpu.memory_space<hbm>>
    %dma_wait3A_103 = arith.constant 0 : i32
    %dma_wait3A_104 = tpu.memref_slice %arg4[%add3A_19, %dma_wait3A_103] : memref<16384x128xf32, #tpu.memory_space<hbm>> -> memref<32x128xf32, #tpu.memory_space<hbm>>
    tpu.wait_dma2 semaphore(%arg11 : memref<!tpu.dma_semaphore, #tpu.memory_space<semaphore_mem>>) src(%arg8 : memref<32x128xf32, #tpu.memory_space<vmem>>) dst(%dma_wait3A_104 : memref<32x128xf32, #tpu.memory_space<hbm>>)
    %dma_wait3A_105 = arith.constant 0 : i32
    %dma_wait3A_106 = tpu.memref_slice %arg4[%add3A_25, %dma_wait3A_105] : memref<16384x128xf32, #tpu.memory_space<hbm>> -> memref<32x128xf32, #tpu.memory_space<hbm>>
    %dma_wait3A_107 = arith.constant 0 : i32
    %dma_wait3A_108 = tpu.memref_slice %arg4[%add3A_25, %dma_wait3A_107] : memref<16384x128xf32, #tpu.memory_space<hbm>> -> memref<32x128xf32, #tpu.memory_space<hbm>>
    tpu.wait_dma2 semaphore(%arg11 : memref<!tpu.dma_semaphore, #tpu.memory_space<semaphore_mem>>) src(%arg8 : memref<32x128xf32, #tpu.memory_space<vmem>>) dst(%dma_wait3A_108 : memref<32x128xf32, #tpu.memory_space<hbm>>)
    %dma_wait3A_109 = arith.constant 0 : i32
    %dma_wait3A_110 = tpu.memref_slice %arg4[%add3A_31, %dma_wait3A_109] : memref<16384x128xf32, #tpu.memory_space<hbm>> -> memref<32x128xf32, #tpu.memory_space<hbm>>
    %dma_wait3A_111 = arith.constant 0 : i32
    %dma_wait3A_112 = tpu.memref_slice %arg4[%add3A_31, %dma_wait3A_111] : memref<16384x128xf32, #tpu.memory_space<hbm>> -> memref<32x128xf32, #tpu.memory_space<hbm>>
    tpu.wait_dma2 semaphore(%arg11 : memref<!tpu.dma_semaphore, #tpu.memory_space<semaphore_mem>>) src(%arg8 : memref<32x128xf32, #tpu.memory_space<vmem>>) dst(%dma_wait3A_112 : memref<32x128xf32, #tpu.memory_space<hbm>>)
    %dma_wait3A_113 = arith.constant 0 : i32
    %dma_wait3A_114 = tpu.memref_slice %arg4[%add3A_37, %dma_wait3A_113] : memref<16384x128xf32, #tpu.memory_space<hbm>> -> memref<32x128xf32, #tpu.memory_space<hbm>>
    %dma_wait3A_115 = arith.constant 0 : i32
    %dma_wait3A_116 = tpu.memref_slice %arg4[%add3A_37, %dma_wait3A_115] : memref<16384x128xf32, #tpu.memory_space<hbm>> -> memref<32x128xf32, #tpu.memory_space<hbm>>
    tpu.wait_dma2 semaphore(%arg11 : memref<!tpu.dma_semaphore, #tpu.memory_space<semaphore_mem>>) src(%arg8 : memref<32x128xf32, #tpu.memory_space<vmem>>) dst(%dma_wait3A_116 : memref<32x128xf32, #tpu.memory_space<hbm>>)
    %dma_wait3A_117 = arith.constant 0 : i32
    %dma_wait3A_118 = tpu.memref_slice %arg4[%add3A_43, %dma_wait3A_117] : memref<16384x128xf32, #tpu.memory_space<hbm>> -> memref<32x128xf32, #tpu.memory_space<hbm>>
    %dma_wait3A_119 = arith.constant 0 : i32
    %dma_wait3A_120 = tpu.memref_slice %arg4[%add3A_43, %dma_wait3A_119] : memref<16384x128xf32, #tpu.memory_space<hbm>> -> memref<32x128xf32, #tpu.memory_space<hbm>>
    tpu.wait_dma2 semaphore(%arg11 : memref<!tpu.dma_semaphore, #tpu.memory_space<semaphore_mem>>) src(%arg8 : memref<32x128xf32, #tpu.memory_space<vmem>>) dst(%dma_wait3A_120 : memref<32x128xf32, #tpu.memory_space<hbm>>)
    %dma_wait3A_121 = arith.constant 0 : i32
    %dma_wait3A_122 = tpu.memref_slice %arg4[%add3A_49, %dma_wait3A_121] : memref<16384x128xf32, #tpu.memory_space<hbm>> -> memref<32x128xf32, #tpu.memory_space<hbm>>
    %dma_wait3A_123 = arith.constant 0 : i32
    %dma_wait3A_124 = tpu.memref_slice %arg4[%add3A_49, %dma_wait3A_123] : memref<16384x128xf32, #tpu.memory_space<hbm>> -> memref<32x128xf32, #tpu.memory_space<hbm>>
    tpu.wait_dma2 semaphore(%arg11 : memref<!tpu.dma_semaphore, #tpu.memory_space<semaphore_mem>>) src(%arg8 : memref<32x128xf32, #tpu.memory_space<vmem>>) dst(%dma_wait3A_124 : memref<32x128xf32, #tpu.memory_space<hbm>>)
    %dma_wait3A_125 = arith.constant 0 : i32
    %dma_wait3A_126 = tpu.memref_slice %arg4[%add3A_55, %dma_wait3A_125] : memref<16384x128xf32, #tpu.memory_space<hbm>> -> memref<32x128xf32, #tpu.memory_space<hbm>>
    %dma_wait3A_127 = arith.constant 0 : i32
    %dma_wait3A_128 = tpu.memref_slice %arg4[%add3A_55, %dma_wait3A_127] : memref<16384x128xf32, #tpu.memory_space<hbm>> -> memref<32x128xf32, #tpu.memory_space<hbm>>
    tpu.wait_dma2 semaphore(%arg11 : memref<!tpu.dma_semaphore, #tpu.memory_space<semaphore_mem>>) src(%arg8 : memref<32x128xf32, #tpu.memory_space<vmem>>) dst(%dma_wait3A_128 : memref<32x128xf32, #tpu.memory_space<hbm>>)
    %dma_wait3A_129 = arith.constant 0 : i32
    %dma_wait3A_130 = tpu.memref_slice %arg4[%add3A_79, %dma_wait3A_129] : memref<16384x128xf32, #tpu.memory_space<hbm>> -> memref<128x128xf32, #tpu.memory_space<hbm>>
    %dma_wait3A_131 = arith.constant 0 : i32
    %dma_wait3A_132 = tpu.memref_slice %arg4[%add3A_79, %dma_wait3A_131] : memref<16384x128xf32, #tpu.memory_space<hbm>> -> memref<128x128xf32, #tpu.memory_space<hbm>>
    tpu.wait_dma2 semaphore(%arg9 : memref<!tpu.dma_semaphore, #tpu.memory_space<semaphore_mem>>) src(%arg6 : memref<128x128xf32, #tpu.memory_space<vmem>>) dst(%dma_wait3A_132 : memref<128x128xf32, #tpu.memory_space<hbm>>)
    %dma_wait3A_133 = arith.constant 0 : i32
    %dma_wait3A_134 = tpu.memref_slice %arg4[%add3A_92, %dma_wait3A_133] : memref<16384x128xf32, #tpu.memory_space<hbm>> -> memref<128x128xf32, #tpu.memory_space<hbm>>
    %dma_wait3A_135 = arith.constant 0 : i32
    %dma_wait3A_136 = tpu.memref_slice %arg4[%add3A_92, %dma_wait3A_135] : memref<16384x128xf32, #tpu.memory_space<hbm>> -> memref<128x128xf32, #tpu.memory_space<hbm>>
    tpu.wait_dma2 semaphore(%arg10 : memref<!tpu.dma_semaphore, #tpu.memory_space<semaphore_mem>>) src(%arg7 : memref<128x128xf32, #tpu.memory_space<vmem>>) dst(%dma_wait3A_136 : memref<128x128xf32, #tpu.memory_space<hbm>>)
    return
  }
}

</mosaic_0001>

<sc_bundles>
// kernel: kernel.3.cloned.1.call-start
scs
__scs_entry_jumppad:
0x0: {  	(pc) =	sbr.rel $0x88, $3  }
0x1: {  	(tag) =	ssettag $0x0;
	lr =	simm.s32 $0x1  }
0x2: {  	[smem:$0x3F9F] =	sst lr;
	_ =	strace $0xD0000000  }
0x3: {  	_ = 	snop  }
0x4: {  	_ = 	snop  }
0x5: {  	_ = 	snop  }
0x6: {  	_ = 	snop  }
0x7: {  	_ = 	snop  }
__scs_overlays_trampoline_lowered:
0x8: {  	[smem:$0x3FAE] =	sst s0  }
0x9: {  	[smem:$0x3FAF] =	sst s1  }
0xa: {  	[smem:$0x3FB0] =	sst s2  }
0xb: {  	[smem:$0x3FB1] =	sst s3  }
0xc: {  	[smem:$0x3FB2] =	sst s4  }
0xd: {  	[smem:$0x3FB3] =	sst s5  }
0xe: {  	[smem:$0x3FB4] =	sst s6  }
0xf: {  	[smem:$0x3FB5] =	sst s7  }
0x10: {  	[smem:$0x3FB6] =	sst s8  }
0x11: {  	[smem:$0x3FB7] =	sst s9;
	s0 =	simm.s32 @!p0 $0x0  }
0x12: {  	s1 =	sld [smem:$0x3F9D];
	s0 =	simm.s32 @p0 $0x1  }
0x13: {  	[smem:$0x3FB8] =	sst s0;
	s0 =	simm.s32 @!p1 $0x0  }
0x14: {  	s2 =	sld [smem:$0x3F9C];
	s0 =	simm.s32 @p1 $0x1  }
0x15: {  	[smem:$0x3FB9] =	sst s0;
	s0 =	simm.s32 @!p2 $0x0  }
0x16: {  	s3 =	sld [smem:$0x3FDB];
	s0 =	simm.s32 @p2 $0x1  }
0x17: {  	s4 =	simm.s32 $0x1BF5;
	[smem:$0x3FBB] =	sst s0  }
0x18: {  	s0 =	sld [smem:$0x3F9E];
	_ =	swait.ge [sflag:s4], $0x0  }
0x19: {  	s7 =	sld [smem:$0x3F9F]  }
0x1a: {  	s8 =	sadd.s32 $0xFFFFE003, lr  }
0x1b: {  	s9 =	sadd.s32 $0xFFFFFEF7, lr;
	s5 =	simm.s32 $0xFFFFFFFF;
	p2 =	slt.u32 s8, $0xFFFFF086  }
0x1c: {  	p1 =	slt.u32 s9, $0xF7A;
	s5 =	simm.s32 @!p2 $0x0  }
0x1d: {  	s5 =	simm.s32 @p1 $0x1;
	p0 =	seq.s32 s7, s2  }
0x1e: {  	s7 =	smul.u32 @!p0 $0xF7A, s2;
	p2 =	seq.s32 @!p0 s5, $0x0  }
0x1f: {  	s9 =	smul.u32 $0xF7A, s1;
	s8 =	simm.s32 @!p0 $0x1BF5;
	p2 =	por !p2, p0  }
0x20: {  	[sflag:s8] =	ssyncset.s32 @!p0 $0xFFFFF086;
	s6 =	sadd.s32 @!p0 s3, s7;
	s7 =	simm.s32 @!p0 $0x108  }
0x21: {  	s3 =	sadd.s32 s3, s9;
	s6 =	sadd.s32 @!p0 $0x88, s6;
	s7 =	simm.s32 @p2 $0x1082  }
0x22: {  	[simem:s7], [sflag:s8] =	dma.local @!p0 [hbm:s6], $0xF7A  }
0x23: {  	s9 =	sor.u32 $0xD0000000, s2;
	s6 =	simm.s32 $0x108;
	_ =	swait.ge @!p0 [sflag:s8], $0x0  }
0x24: {  	s3 =	sadd.s32 $0x88, s3;
	s6 =	simm.s32 @!p1 $0x1082;
	[sflag:s4] =	ssyncset.s32 $0xFFFFF086  }
0x25: {  	[simem:s6], [sflag:s4] =	dma.local [hbm:s3], $0xF7A  }
0x26: {  	[smem:$0x3F9F] =	sst s1;
	(tag) =	ssettag s2;
	_ =	strace s9  }
0x27: {  	s1 =	sld [smem:$0x3FAF]  }
0x28: {  	s2 =	sld [smem:$0x3FB0]  }
0x29: {  	s4 =	sld [smem:$0x3FB2]  }
0x2a: {  	p0 =	seq.s32 s5, $0x0;
	s5 =	sld [smem:$0x3FB3]  }
0x2b: {  	s6 =	sld [smem:$0x3FB4]  }
0x2c: {  	s7 =	sld [smem:$0x3FB5]  }
0x2d: {  	s3 =	simm.s32 $0x108;
	s8 =	sld [smem:$0x3FB6]  }
0x2e: {  	s3 =	simm.s32 @!p0 $0x1082;
	s9 =	sld [smem:$0x3FB7]  }
0x2f: {  	lr =	sadd.s32 s0, s3;
	s0 =	sld [smem:$0x3FAE]  }
0x30: {  	s3 =	sld [smem:$0x3FB1]  }
0x31: {  	[smem:$0x3FBA] =	sst s10  }
0x32: {  	s10 =	sld [smem:$0x3FB8];
	_ =	sdelay $0x3  }
0x33: {  	p0 =	seq.s32 s10, $0x1;
	s10 =	sld [smem:$0x3FBA];
	_ =	sdelay $0x3  }
0x34: {  	[smem:$0x3FBA] =	sst s10  }
0x35: {  	s10 =	sld [smem:$0x3FB9];
	_ =	sdelay $0x3  }
0x36: {  	p1 =	seq.s32 s10, $0x1;
	s10 =	sld [smem:$0x3FBA];
	_ =	sdelay $0x3  }
0x37: {  	[smem:$0x3FBA] =	sst s10  }
0x38: {  	s10 =	sld [smem:$0x3FBB]  }
0x39: {  	_ = 	snop;
	(pc) =	sbr.ind lr, $3  }
0x3a: {  	_ = 	snop  }
0x3b: {  	_ = 	snop  }
0x3c: {  	p2 =	seq.s32 s10, $0x1;
	s10 =	sld [smem:$0x3FBA]  }
0x3d: {  	_ =	shalt  }
0x3e: {  	_ =	shalt  }
0x3f: {  	_ =	shalt  }
0x40: {  	_ =	shalt  }
0x41: {  	_ =	shalt  }
0x42: {  	_ =	shalt  }
0x43: {  	_ =	shalt  }
0x44: {  	_ =	shalt  }
0x45: {  	_ =	shalt  }
0x46: {  	_ =	shalt  }
0x47: {  	_ =	shalt  }
0x48: {  	_ =	shalt  }
0x49: {  	_ =	shalt  }
0x4a: {  	_ =	shalt  }
0x4b: {  	_ =	shalt  }
0x4c: {  	_ =	shalt  }
0x4d: {  	_ =	shalt  }
0x4e: {  	_ =	shalt  }
0x4f: {  	_ =	shalt  }
0x50: {  	_ =	shalt  }
0x51: {  	_ =	shalt  }
0x52: {  	_ =	shalt  }
0x53: {  	_ =	shalt  }
0x54: {  	_ =	shalt  }
0x55: {  	_ =	shalt  }
0x56: {  	_ =	shalt  }
0x57: {  	_ =	shalt  }
0x58: {  	_ =	shalt  }
0x59: {  	_ =	shalt  }
0x5a: {  	_ =	shalt  }
0x5b: {  	_ =	shalt  }
0x5c: {  	_ =	shalt  }
0x5d: {  	_ =	shalt  }
0x5e: {  	_ =	shalt  }
0x5f: {  	_ =	shalt  }
0x60: {  	_ =	shalt  }
0x61: {  	_ =	shalt  }
0x62: {  	_ =	shalt  }
0x63: {  	_ =	shalt  }
0x64: {  	_ =	shalt  }
0x65: {  	_ =	shalt  }
0x66: {  	_ =	shalt  }
0x67: {  	_ =	shalt  }
0x68: {  	_ =	shalt  }
0x69: {  	_ =	shalt  }
0x6a: {  	_ =	shalt  }
0x6b: {  	_ =	shalt  }
0x6c: {  	_ =	shalt  }
0x6d: {  	_ =	shalt  }
0x6e: {  	_ =	shalt  }
0x6f: {  	_ =	shalt  }
0x70: {  	_ =	shalt  }
0x71: {  	_ =	shalt  }
0x72: {  	_ =	shalt  }
0x73: {  	_ =	shalt  }
0x74: {  	_ =	shalt  }
0x75: {  	_ =	shalt  }
0x76: {  	_ =	shalt  }
0x77: {  	_ =	shalt  }
0x78: {  	_ =	shalt  }
0x79: {  	_ =	shalt  }
0x7a: {  	_ =	shalt  }
0x7b: {  	_ =	shalt  }
0x7c: {  	_ =	shalt  }
0x7d: {  	_ =	shalt  }
0x7e: {  	_ =	shalt  }
0x7f: {  	_ =	shalt  }
0x80: {  	_ =	shalt  }
0x81: {  	_ =	shalt  }
0x82: {  	_ =	shalt  }
0x83: {  	_ =	shalt  }
0x84: {  	_ =	shalt  }
0x85: {  	_ =	shalt  }
0x86: {  	_ =	shalt  }
0x87: {  	_ =	shalt  }
.Lfunc_end0:
.L_simem_size_0:
called_computation_lowered:
.L_overlay_start_0:
0x88: {  	s2 =	sld [smem:$0x3FD9]  }
0x89: {  	s3 =	sld [smem:$0x3FFE];
	_ =	sdelay $0x1  }
0x8a: {  	s1 =	srdreg.scid  }
0x8b: {  	s0 =	sand.u32 $0x1, s1  }
0x8c: {  	s18 =	sshll.u32 s0, $0xA;
	s2 =	sadd.s32 s3, s2  }
0x8d: {  	s2 =	sadd.s32 s2, s18  }
0x8e: {  	[smem:$0x3FC6] =	sst s2  }
0x8f: {  	_ = 	snop  }
0x90: {  	s2 =	sld [smem:$0x3FC9]  }
0x91: {  	s19 =	sld [smem:$0x3FC8]  }
0x92: {  	s4 =	sld [smem:$0x3FD0];
	(tm) =	ssettm $0x1  }
0x93: {  	s5 =	sld [smem:$0x3FFB];
	_ =	sdelay $0x3  }
0x94: {  	_ =	strace s5  }
0x95: {  	s5 =	sld [smem:$0x3FFC];
	_ =	sdelay $0x3  }
0x96: {  	_ =	strace s5  }
0x97: {  	s5 =	sld [smem:$0x3FFD];
	_ =	sdelay $0x3  }
0x98: {  	_ =	strace s5  }
0x99: {  	_ =	strace $0x8FFFFFFF  }
0x9a: {  	s20 =	sld [smem:$0x3FDB];
	_ =	sdelay $0x1  }
0x9b: {  	s6 =	simm.s32 $_scs_section_size  }
0x9c: {  	s7 =	simm.s32 $_size__tile_overlayer_lowered;
	s8 =	simm.s32 $_tile_overlayer_lowered  }
0x9d: {  	s23 =	simm.s32 $0x1BFF;
	s22 =	sshll.u32 s8, $0x1;
	s5 =	sadd.s32 s6, s20  }
0x9e: {  	s9 =	simm.s32 $0x0;
	s21 =	sshll.u32 s7, $0x1;
	s7 =	sadd.s32 s22, s5  }
0x9f: {  	[timem:s9], [sflag:s23] =	dma.local [hbm:s7], s21  }
0xa0: {  	_ =	swait.ge [sflag:s23], s21  }
0xa1: {  	s6 =	ssub.s32 $0x0, s21;
	[sflag:s23] =	ssyncset.done $0x0  }
0xa2: {  	[sflag:s23] =	ssyncadd.s32 s6;
	_ =	sdelay $0x1  }
0xa3: {  	s24 =	simm.s32 $0x1B8B  }
0xa4: {  	_ =	swait.ge [sflag:s24], $0x1  }
0xa5: {  	[sflag:s24] =	ssyncset.done $0x0  }
0xa6: {  	s25 =	simm.s32 $0x1B8E;
	[sflag:s24] =	ssyncadd.s32 $0xFFFFFFFF  }
0xa7: {  	s26 =	simm.s32 $execute0_lowered;
	[smem:$0x3FD2] =	sst s25  }
0xa8: {  	s6 =	sshll.u32 s26, $0x1;
	_ =	strace $0x80000046;
	[dreg:$0x1] =	wrdreg $0xFFFFFFFF  }
0xa9: {  	s28 =	simm.s32 $_size_execute0_lowered;
	s5 =	sadd.s32 s5, s6;
	[dreg:$0x0] =	wrdreg $0x0  }
0xaa: {  	s6 =	sshll.u32 s28, $0x1;
	[dreg:$0x2] =	wrdreg s5  }
0xab: {  	[dreg:$0x3] =	wrdreg s6  }
0xac: {  	[dreg:$0x4] =	wrdreg $0xC0  }
0xad: {  	_ =	task [dreg:s9], $0x5FFFF  }
0xae: {  	[dreg:$0x1] =	wrdreg $0xFFFFFFFF  }
0xaf: {  	[dreg:$0x0] =	wrdreg $0x60  }
0xb0: {  	[dreg:$0x2] =	wrdreg s2  }
0xb1: {  	[dreg:$0x3] =	wrdreg s19  }
0xb2: {  	[dreg:$0x4] =	wrdreg s4  }
0xb3: {  	[dreg:$0x5] =	wrdreg $0x9  }
0xb4: {  	_ =	task.clear_ibuf [dreg:s9], $0x6FFFF;
	_ =	strace $0x90000046  }
0xb5: {  	s29 =	simm.s32 $0x9;
	_ =	strace $0x80000048  }
0xb6: {  	_ =	swait.ge [sflag:s29], $0x1  }
0xb7: {  	[sflag:s29] =	ssyncadd.s32 $0xFFFFFFFF  }
0xb8: {  	_ =	strace $0x90000048  }
0xb9: {  	_ =	sfence  }
0xba: {  	s30 =	sld [smem:$0x0];
	_ =	sdelay $0x2  }
0xbb: {  	s31 =	sshll.u32 s1, $0xD;
	s1 =	sshrl.u32 s1, $0x2  }
0xbc: {  	s3 =	sand.u32 $0x4000, s31;
	s1 =	sadd.s32 s1, s30  }
0xbd: {  	s0 =	sor.u32 s3, s0;
	s1 =	sshll.u32 s1, $0x11  }
0xbe: {  	s0 =	sor.u32 s1, s0  }
0xbf: {  	s0 =	sadd.s32 $0x8F2B, s0  }
0xc0: {  	[sflag:s0] =	ssyncadd.remote.s32 $0x1  }
0xc1: {  	_ =	sfence.sel $0xFFFF  }
0xc2: {  	[dreg:$0x0] =	wrdreg $0xFFFFFFFF;
	(pc) =	sbr.abs _section_cstart, $3  }
0xc3: {  	[dreg:$0x1] =	wrdreg $0xFFFFFFFF  }
0xc4: {  	_ =	task.clear_ibuf [dreg:s9], $0x2FFFF;
	_ =	strace $0x9FFFFFFF  }
0xc5: {  	(tm) =	ssettm $0x7FFFFFFF  }
tec
execute0_lowered:
.L_overlay_start_1:
0x0: {  	(tag) =	ssettag $0x1  }
0x1: {  	s5 =	rddreg [dreg:$0x0]  }
0x2: {  	s1 =	rddreg [dreg:$0x1]  }
0x3: {  	s13 =	rddreg [dreg:$0x2]  }
0x4: {  	s0 =	rddreg [dreg:$0x3]  }
0x5: {  	s4 =	srdreg.scid;
	s3 =	simm.s32 $0x0;
	s2 =	stileid.u32  }
0x6: {  	s16 =	simm.s32 $0x8100;
	s17 =	simm.s32 $0x1;
	s18 =	simm.s32 $0x80  }
0x7: {  	s19 =	simm.s32 $0x100;
	s20 =	simm.s32 $0x4100;
	s21 =	simm.s32 $0x2  }
0x8: {  	s22 =	simm.s32 $0x3;
	s23 =	simm.s32 $0x0;
	s4 =	sand.u32 $0x1, s4  }
0x9: {  	[smem:$0x7FF] =	sst s3;
	s6 =	sshll.u32 s2, $0x9;
	s7 =	sshll.u32 s4, $0x8  }
0xa: {  	_ =	strace $0x80000047;
	s29 =	ssub.s32 $0x2, s4;
	s6 =	sor.u32 s7, s6  }
0xb: {  	s31 =	sshrl.u32 s29, $0x1;
	s12 =	sor.u32 $0x2000, s6;
	s30 =	sshll.u32 s6, $0x4  }
0xc: {  	s15 =	ssub.s32 s29, s31;
	s8 =	sshrl.u32 s12, $0x3;
	s4 =	sadd.s32 s13, s30  }
0xd: {  	s14 =	sshll.u32 s12, $0x4;
	s15 =	smax.u32 s15, $0x1;
	s5 =	sadd.s32 s5, s8  }
0xe: {  	s6 =	sadd.s32 $0x200, s4;
	s7 =	sadd.s32 $0x400, s4;
	s8 =	sadd.s32 $0x600, s4  }
0xf: {  	s9 =	sadd.s32 $0x800, s4;
	s10 =	sadd.s32 $0xA00, s4;
	s11 =	sadd.s32 $0xC00, s4  }
0x10: {  	v0 =	vimm.f32 $0.0e+00;
	s12 =	sadd.s32 $0xE00, s4;
	s13 =	sadd.s32 s13, s14;
	s14 =	sadd.s32 $0x20800, s4  }
.LBB2_1:
0x11: {  	[tilespmem:s3], [sflag:$0x1] =	stream.linear.gather [hbm4b:s5+s3], $0x100, $0x38;
	[tilespmem:$0x9100] =	vst v63  }
0x12: {  	s24 =	simm.s32 $0x0;
	s25 =	simm.s32 $0x200  }
.LBB2_2:
0x13: {  	p0 =	sne.s32 s25, $0x3E00;
	[tilespmem:s24+$0x8170] =	vst v0  }
0x14: {  	[tilespmem:s24+$0x8100] =	vst v0  }
0x15: {  	[tilespmem:s24+$0x8110] =	vst v0  }
.Ltmp0:
0x16: {  	[tilespmem:s24+$0x8120] =	vst v0;
	(pc) =	sbr.rel @p0 .LBB2_2-.Ltmp0, $4  }
0x17: {  	[tilespmem:s24+$0x8130] =	vst v0  }
0x18: {  	[tilespmem:s24+$0x8140] =	vst v0  }
0x19: {  	[tilespmem:s24+$0x8150] =	vst v0  }
0x1a: {  	[tilespmem:s24+$0x8160] =	vst v0;
	s24 =	sshra.s32 s25, $0x2;
	s25 =	sadd.s32 $0x200, s25  }
0x1b: {  	[tilespmem:s24+$0x8170] =	vst v0  }
0x1c: {  	[tilespmem:s24+$0x8100] =	vst v0  }
0x1d: {  	[tilespmem:s24+$0x8110] =	vst v0  }
0x1e: {  	[tilespmem:s24+$0x8120] =	vst v0  }
0x1f: {  	[tilespmem:s24+$0x8130] =	vst v0  }
0x20: {  	[tilespmem:s24+$0x8140] =	vst v0  }
0x21: {  	[tilespmem:s24+$0x8150] =	vst v0  }
0x22: {  	[tilespmem:s24+$0x8160] =	vst v0  }
0x23: {  	[hbm4b:s4+s3] =	stream.linear.scatter [tilespmem:s16], [sflag:$0x3], $0x1000, $0x38;
	[tilespmem:$0x9100] =	vst v63  }
0x24: {  	_ = 	snop  }
0x25: {  	[hbm4b:s6+s3] =	stream.linear.scatter [tilespmem:s16], [sflag:$0x3], $0x1000, $0x38;
	[tilespmem:$0x9100] =	vst v63  }
0x26: {  	_ = 	snop  }
0x27: {  	[hbm4b:s7+s3] =	stream.linear.scatter [tilespmem:s16], [sflag:$0x3], $0x1000, $0x38;
	[tilespmem:$0x9100] =	vst v63  }
0x28: {  	_ = 	snop  }
0x29: {  	[hbm4b:s8+s3] =	stream.linear.scatter [tilespmem:s16], [sflag:$0x3], $0x1000, $0x38;
	[tilespmem:$0x9100] =	vst v63  }
0x2a: {  	_ = 	snop  }
0x2b: {  	[hbm4b:s9+s3] =	stream.linear.scatter [tilespmem:s16], [sflag:$0x3], $0x1000, $0x38;
	[tilespmem:$0x9100] =	vst v63  }
0x2c: {  	_ = 	snop  }
0x2d: {  	[hbm4b:s10+s3] =	stream.linear.scatter [tilespmem:s16], [sflag:$0x3], $0x1000, $0x38;
	[tilespmem:$0x9100] =	vst v63  }
0x2e: {  	_ = 	snop  }
0x2f: {  	[hbm4b:s11+s3] =	stream.linear.scatter [tilespmem:s16], [sflag:$0x3], $0x1000, $0x38;
	[tilespmem:$0x9100] =	vst v63  }
0x30: {  	_ = 	snop  }
0x31: {  	[hbm4b:s12+s3] =	stream.linear.scatter [tilespmem:s16], [sflag:$0x3], $0x1000, $0x38;
	[tilespmem:$0x9100] =	vst v63  }
0x32: {  	_ =	swait.ge [sflag:s17], $0x100  }
0x33: {  	[sflag:s17] =	ssyncset.done $0x0  }
0x34: {  	[sflag:s17] =	ssyncadd.s32 $0xFFFFFF00  }
0x35: {  	[tilespmem:s19], [sflag:$0x1] =	stream.indirect.gather [hbm4b:s1+s18], $0x80, s3, s18, $0xb8;
	[tilespmem:$0x9100] =	vst v63  }
0x36: {  	_ = 	snop  }
0x37: {  	[tilespmem:s20], [sflag:$0x2] =	stream.indirect.gather [hbm4b:s1+s18], $0x80, s18, s18, $0xb8;
	[tilespmem:$0x9100] =	vst v63  }
0x38: {  	_ =	swait.ge [sflag:s17], $0x4000  }
0x39: {  	[sflag:s17] =	ssyncset.done $0x0  }
0x3a: {  	[sflag:s17] =	ssyncadd.s32 $0xFFFFC000  }
0x3b: {  	[hbm4b:s13+s3] =	stream.linear.scatter [tilespmem:s19], [sflag:$0x1], $0x4000, $0x38;
	[tilespmem:$0x9100] =	vst v63  }
0x3c: {  	_ =	swait.ge [sflag:s21], $0x4000  }
0x3d: {  	[sflag:s21] =	ssyncset.done $0x0  }
0x3e: {  	[sflag:s21] =	ssyncadd.s32 $0xFFFFC000  }
0x3f: {  	[hbm4b:s14+s3] =	stream.linear.scatter [tilespmem:s20], [sflag:$0x2], $0x4000, $0x38;
	[tilespmem:$0x9100] =	vst v63  }
0x40: {  	_ =	swait.ge [sflag:s22], $0x1000  }
0x41: {  	[sflag:s22] =	ssyncset.done $0x0  }
0x42: {  	[sflag:s22] =	ssyncadd.s32 $0xFFFFF000  }
0x43: {  	_ =	swait.ge [sflag:s22], $0x1000  }
0x44: {  	[sflag:s22] =	ssyncset.done $0x0  }
0x45: {  	[sflag:s22] =	ssyncadd.s32 $0xFFFFF000  }
0x46: {  	_ =	swait.ge [sflag:s22], $0x1000  }
0x47: {  	[sflag:s22] =	ssyncset.done $0x0  }
0x48: {  	[sflag:s22] =	ssyncadd.s32 $0xFFFFF000  }
0x49: {  	_ =	swait.ge [sflag:s22], $0x1000  }
0x4a: {  	[sflag:s22] =	ssyncset.done $0x0  }
0x4b: {  	[sflag:s22] =	ssyncadd.s32 $0xFFFFF000  }
0x4c: {  	_ =	swait.ge [sflag:s22], $0x1000  }
0x4d: {  	[sflag:s22] =	ssyncset.done $0x0  }
0x4e: {  	[sflag:s22] =	ssyncadd.s32 $0xFFFFF000  }
0x4f: {  	_ =	swait.ge [sflag:s22], $0x1000  }
0x50: {  	[sflag:s22] =	ssyncset.done $0x0  }
0x51: {  	[sflag:s22] =	ssyncadd.s32 $0xFFFFF000  }
0x52: {  	_ =	swait.ge [sflag:s22], $0x1000  }
0x53: {  	[sflag:s22] =	ssyncset.done $0x0  }
0x54: {  	[sflag:s22] =	ssyncadd.s32 $0xFFFFF000  }
0x55: {  	_ =	swait.ge [sflag:s22], $0x1000  }
0x56: {  	[sflag:s22] =	ssyncset.done $0x0  }
0x57: {  	s23 =	sadd.s32 $0x1, s23;
	[sflag:s22] =	ssyncadd.s32 $0xFFFFF000  }
0x58: {  	p0 =	sne.s32 s23, s15;
	_ =	swait.ge [sflag:s17], $0x4000  }
.Ltmp1:
0x59: {  	[sflag:s17] =	ssyncset.done $0x0;
	(pc) =	sbr.rel @p0 .LBB2_1-.Ltmp1, $4  }
0x5a: {  	[sflag:s17] =	ssyncadd.s32 $0xFFFFC000  }
0x5b: {  	_ =	swait.ge [sflag:s21], $0x4000  }
0x5c: {  	[sflag:s21] =	ssyncset.done $0x0  }
0x5d: {  	[sflag:s21] =	ssyncadd.s32 $0xFFFFC000  }
0x5e: {  	_ =	sfence.sel $0x180000  }
0x5f: {  	[bflag:$0x0] =	sbarrier.arrive $0xFFFF  }
0x60: {  	p0 =	sne.s32 s2, $0x0;
	_ =	strace $0x90000047  }
0x61: {  	s0 =	sadd.s32 @!p0 $0x100000, s0;
	[bflag:$0x2] =	sbarrier.arrive $0xFFFF  }
0x62: {  	[sflag:s0] =	ssyncadd.tile.s32 @!p0 $0x1;
	_ =	shalt  }
.Lfunc_end2:
_tile_overlayer_lowered:
.L_overlay_start_2:
0x63: {  	(tag) =	ssettag $0x2  }
0x64: {  	s0 =	rddreg [dreg:$0x0];
	s2 =	stileid.u32  }
0x65: {  	s1 =	rddreg [dreg:$0x1];
	p0 =	sne.s32 s2, $0x0  }
0x66: {  	s3 =	rddreg [dreg:$0x2];
	[bflag:$0x3] =	sbarrier.arrive $0xFFFF;
	s2 =	simm.s32 @!p0 $0x1C04  }
0x67: {  	[timem:s3], [sflag:s2] =	dma.local @!p0 [hbm:s0], s1  }
0x68: {  	s0 =	simm.s32 @!p0 $0x4  }
0x69: {  	_ =	swait.ge @!p0 [sflag:s0], s1  }
0x6a: {  	s1 =	ssub.s32 @!p0 $0x0, s1;
	[sflag:s0] =	ssyncset.done @!p0 $0x0  }
0x6b: {  	[sflag:s0] =	ssyncadd.s32 @!p0 s1  }
0x6c: {  	[bflag:$0x3] =	sbarrier.arrive $0xFFFF  }
0x6d: {  	_ =	shalt  }

</sc_bundles>
